<compile_context>
chip_gen: v7x
topology: tpu7x:2x2x1
jax: 0.10.2.dev20260603
libtpu: 0.0.44.dev20260713+nightly
codegen_flags: <defaults>
</compile_context>

<pallas_src>
import functools

import jax
import jax.numpy as jnp
from jax import lax
from jax.experimental import pallas as pl
from jax.experimental.pallas import tpu as pltpu
from jax.experimental.pallas import tpu_sc as plsc

_V, _D, _H, _C = 1000000, 128, 64, 16
_B, _L = 4096, 200

_NC, _NS = 2, 16
_NW = _NC * _NS
_BPW = _B // _NW
_CH0, _CH1 = 128, 72
_NSL = _D // 16


def _make_sc_pool():
    mesh = plsc.VectorSubcoreMesh(core_axis_name="c", subcore_axis_name="s")

    @functools.partial(
        pl.kernel,
        mesh=mesh,
        out_type=jax.ShapeDtypeStruct((_B, _D), jnp.float32),
        scratch_types=[
            pltpu.VMEM((_BPW, _L), jnp.int32),
            pltpu.VMEM((_L, _D), jnp.float32),
            pltpu.VMEM((_BPW, _D), jnp.float32),
            pltpu.SemaphoreType.DMA,
        ],
    )
    def sc_pool(content_hbm, table_hbm, out_hbm, idx_v, rows_v, out_v, sem):
        wid = lax.axis_index("s") * _NC + lax.axis_index("c")
        base = wid * _BPW
        pltpu.sync_copy(content_hbm.at[pl.ds(base, _BPW)], idx_v)

        def body(row, carry):
            cp1 = pltpu.async_copy(
                table_hbm.at[idx_v.at[row, pl.ds(0, _CH0)]],
                rows_v.at[pl.ds(0, _CH0)], sem)
            cp2 = pltpu.async_copy(
                table_hbm.at[idx_v.at[row, pl.ds(_CH0, _CH1)]],
                rows_v.at[pl.ds(_CH0, _CH1)], sem)
            cp1.wait()
            cp2.wait()

            def acc_body(j, acc):
                return tuple(acc[c] + rows_v[j, pl.ds(c * 16, 16)]
                             for c in range(_NSL))

            zero = jnp.zeros((16,), jnp.float32)
            acc = lax.fori_loop(0, _L, acc_body, (zero,) * _NSL)
            for c in range(_NSL):
                out_v[row, pl.ds(c * 16, 16)] = acc[c]
            return carry

        lax.fori_loop(0, _BPW, body, 0)
        pltpu.sync_copy(out_v, out_hbm.at[pl.ds(base, _BPW)])

    return sc_pool


_sc_pool = _make_sc_pool()


def _mlp_body(x_ref, w1_ref, b1_ref, g1_ref, be1_ref, w2_ref, b2_ref, g2_ref,
              be2_ref, o_ref):
    x = x_ref[...] * (1.0 / _L)
    h = jnp.dot(x, w1_ref[...], preferred_element_type=jnp.float32) + b1_ref[...]
    m = jnp.mean(h, axis=0, keepdims=True)
    v = jnp.mean(jnp.square(h - m), axis=0, keepdims=True)
    h = g1_ref[...] * (h - m) * lax.rsqrt(v + 1e-5) + be1_ref[...]
    h = jnp.tanh(h)
    o = jnp.dot(h, w2_ref[...], preferred_element_type=jnp.float32) + b2_ref[...]
    m2 = jnp.mean(o, axis=0, keepdims=True)
    v2 = jnp.mean(jnp.square(o - m2), axis=0, keepdims=True)
    o = g2_ref[...] * (o - m2) * lax.rsqrt(v2 + 1e-5) + be2_ref[...]
    o_ref[...] = jax.nn.sigmoid(o)


_mlp = pl.pallas_call(
    _mlp_body,
    out_shape=jax.ShapeDtypeStruct((_B, _C), jnp.float32),
)


def kernel(content, table, W1, b1, g1, be1, W2, b2, g2, be2):
    xsum = _sc_pool(content, table)
    return _mlp(xsum, W1, b1.reshape(1, _H), g1.reshape(1, _H),
                be1.reshape(1, _H), W2, b2.reshape(1, _C), g2.reshape(1, _C),
                be2.reshape(1, _C))

# --- scband reference (transcript-rebuilt; emitter-appended) ---
"""Pipeline reference for scband-fast-text-70987219468578 (READ-ONLY COPY).

The authoritative reference and input builder live on the scoring server;
editing this copy changes nothing except your own understanding.
"""

import jax, jax.numpy as jnp
import numpy as np

V, D, H, C = 1000000, 128, 64, 16
B, L = 4096, 200


def _batchnorm(x, gamma, beta, eps=1e-5):
    # BatchNorm1d in training mode: per-feature batch statistics (biased var)
    mean = jnp.mean(x, axis=0)
    var = jnp.var(x, axis=0)
    return gamma * (x - mean) / jnp.sqrt(var + eps) + beta


def setup_inputs(seed: int = 0) -> dict:
    key = jax.random.key(seed)
    ks = jax.random.split(key, 6)
    content = jax.random.randint(ks[0], (B, L), 0, V, dtype=jnp.int64 if jax.config.jax_enable_x64 else jnp.int32).astype(jnp.int32)
    table = jax.random.normal(ks[1], (V, D), dtype=jnp.float32) * 0.02
    W1 = jax.random.normal(ks[2], (D, H), dtype=jnp.float32) * (1.0 / np.sqrt(D))
    b1 = jnp.zeros((H,), dtype=jnp.float32)
    g1 = jnp.ones((H,), dtype=jnp.float32)
    be1 = jnp.zeros((H,), dtype=jnp.float32)
    W2 = jax.random.normal(ks[3], (H, C), dtype=jnp.float32) * (1.0 / np.sqrt(H))
    b2 = jnp.zeros((C,), dtype=jnp.float32)
    g2 = jnp.ones((C,), dtype=jnp.float32)
    be2 = jnp.zeros((C,), dtype=jnp.float32)
    return {"content": content, "table": table, "W1": W1, "b1": b1, "g1": g1, "be1": be1, "W2": W2, "b2": b2, "g2": g2, "be2": be2}


def reference(content, table, W1, b1, g1, be1, W2, b2, g2, be2):
    # content = torch.mean(self.embeds(content), dim=1)
    emb = jnp.take(table, content, axis=0)          # [B, L, D] gather
    x = jnp.mean(emb, axis=1)                        # [B, D]
    # fc: Linear(2h, h) -> BatchNorm1d(h) -> Tanh -> Linear(h, C) -> BatchNorm1d(C) -> Sigmoid
    h = x @ W1 + b1
    h = _batchnorm(h, g1, be1)
    h = jnp.tanh(h)
    o = h @ W2 + b2
    o = _batchnorm(o, g2, be2)
    return jax.nn.sigmoid(o)

if __name__ == "__main__":
    import jax
    _d = setup_inputs()
    print(jax.jit(kernel)(*tuple(_d.values())))

</pallas_src>

<mosaic_0001>
#map = affine_map<(d0, d1) -> (0, 0)>
module attributes {stable_mosaic.version = 14 : i64} {
  func.func @sc_pool(%arg0: i32, %arg1: i32, %arg2: memref<4096x200xi32, #tpu.memory_space<hbm>>, %arg3: memref<1000000x128xf32, #tpu.memory_space<hbm>>, %arg4: memref<4096x128xf32, #tpu.memory_space<hbm>>, %arg5: memref<128x200xi32, #tpu.memory_space<vmem>>, %arg6: memref<200x128xf32, #tpu.memory_space<vmem>>, %arg7: memref<128x128xf32, #tpu.memory_space<vmem>>, %arg8: memref<!tpu.dma_semaphore, #tpu.memory_space<semaphore_mem>>) attributes {dimension_semantics = [#tpu.dimension_semantics<core_parallel>, #tpu.dimension_semantics<subcore_parallel>], iteration_bounds = array<i64: 2, 16>, scalar_prefetch = 0 : i64, scratch_operands = 4 : i64, tpu.core_type = #tpu.core_type<sc_vector_subcore>, window_params = [{transform_indices = #map}, {transform_indices = #map}, {transform_indices = #map}]} {
    %mul3A = arith.constant 2 : i32
    %mul3A_0 = arith.muli %arg1, %mul3A : i32
    %add3A = arith.addi %mul3A_0, %arg0 : i32
    %mul3A_1 = arith.constant 128 : i32
    %mul3A_2 = arith.muli %add3A, %mul3A_1 : i32
    "tpu.region"() ({
      %run_scoped3A = tpu.sem_alloc : memref<!tpu.dma_semaphore, #tpu.memory_space<semaphore_mem>>
      %dma_start3A = arith.constant 0 : i32
      %dma_start3A_8 = tpu.memref_slice %arg2[%mul3A_2, %dma_start3A] : memref<4096x200xi32, #tpu.memory_space<hbm>> -> memref<128x200xi32, #tpu.memory_space<hbm>>
      %dma_start3A_9 = arith.constant 0 : i32
      %dma_start3A_10 = tpu.memref_slice %arg2[%mul3A_2, %dma_start3A_9] : memref<4096x200xi32, #tpu.memory_space<hbm>> -> memref<128x200xi32, #tpu.memory_space<hbm>>
      tpu.enqueue_dma source(%dma_start3A_10 : memref<128x200xi32, #tpu.memory_space<hbm>>) target(%arg5 : memref<128x200xi32, #tpu.memory_space<vmem>>) target_semaphore(%run_scoped3A : memref<!tpu.dma_semaphore, #tpu.memory_space<semaphore_mem>>)
      %dma_wait3A = arith.constant 0 : i32
      %dma_wait3A_11 = tpu.memref_slice %arg2[%mul3A_2, %dma_wait3A] : memref<4096x200xi32, #tpu.memory_space<hbm>> -> memref<128x200xi32, #tpu.memory_space<hbm>>
      %dma_wait3A_12 = arith.constant 0 : i32
      %dma_wait3A_13 = tpu.memref_slice %arg2[%mul3A_2, %dma_wait3A_12] : memref<4096x200xi32, #tpu.memory_space<hbm>> -> memref<128x200xi32, #tpu.memory_space<hbm>>
      tpu.wait_dma2 semaphore(%run_scoped3A : memref<!tpu.dma_semaphore, #tpu.memory_space<semaphore_mem>>) src(%dma_wait3A_13 : memref<128x200xi32, #tpu.memory_space<hbm>>) dst(%arg5 : memref<128x200xi32, #tpu.memory_space<vmem>>)
      tpu.yield
    }) : () -> ()
    %scan3A = arith.constant 0 : i32
    %scan3A_3 = arith.constant 0 : i32
    %scan3A_4 = arith.constant 128 : i32
    %scan3A_5 = arith.addi %scan3A_3, %scan3A_4 : i32
    %scan3A_6 = arith.constant 1 : i32
    scf.for %scan3A_8 = %scan3A_3 to %scan3A_5 step %scan3A_6  : i32 {
      %dma_start3A = arith.constant 0 : i32
      %dma_start3A_9 = arith.constant 0 : i32
      %dma_start3A_10 = tpu.memref_slice %arg6[%dma_start3A, %dma_start3A_9] : memref<200x128xf32, #tpu.memory_space<vmem>> -> memref<128x128xf32, #tpu.memory_space<vmem>>
      %dma_start3A_11 = arith.constant 0 : i32
      %dma_start3A_12 = tpu.memref_slice %arg5[%scan3A_8, %dma_start3A_11] : memref<128x200xi32, #tpu.memory_space<vmem>> -> memref<1x128xi32, #tpu.memory_space<vmem>>
      %dma_start3A_13 = tpu.memref_squeeze %dma_start3A_12 : memref<1x128xi32, #tpu.memory_space<vmem>> -> memref<128xi32, #tpu.memory_space<vmem>>
      %dma_start3A_14 = arith.constant 0 : i32
      %dma_start3A_15 = arith.constant 0 : i32
      %dma_start3A_16 = tpu.memref_slice %arg3[%dma_start3A_14, %dma_start3A_15] : memref<1000000x128xf32, #tpu.memory_space<hbm>> -> memref<1000000x128xf32, #tpu.memory_space<hbm>>
      tpu.enqueue_indirect_dma source(%dma_start3A_16 : memref<1000000x128xf32, #tpu.memory_space<hbm>>) target(%dma_start3A_10 : memref<128x128xf32, #tpu.memory_space<vmem>>) offsets(%dma_start3A_13 : memref<128xi32, #tpu.memory_space<vmem>>) semaphore(%arg8 : memref<!tpu.dma_semaphore, #tpu.memory_space<semaphore_mem>>)
      %dma_start3A_17 = arith.constant 128 : i32
      %dma_start3A_18 = arith.constant 0 : i32
      %dma_start3A_19 = tpu.memref_slice %arg6[%dma_start3A_17, %dma_start3A_18] : memref<200x128xf32, #tpu.memory_space<vmem>> -> memref<72x128xf32, #tpu.memory_space<vmem>>
      %dma_start3A_20 = arith.constant 128 : i32
      %dma_start3A_21 = tpu.memref_slice %arg5[%scan3A_8, %dma_start3A_20] : memref<128x200xi32, #tpu.memory_space<vmem>> -> memref<1x72xi32, #tpu.memory_space<vmem>>
      %dma_start3A_22 = tpu.memref_squeeze %dma_start3A_21 : memref<1x72xi32, #tpu.memory_space<vmem>> -> memref<72xi32, #tpu.memory_space<vmem>>
      %dma_start3A_23 = arith.constant 0 : i32
      %dma_start3A_24 = arith.constant 0 : i32
      %dma_start3A_25 = tpu.memref_slice %arg3[%dma_start3A_23, %dma_start3A_24] : memref<1000000x128xf32, #tpu.memory_space<hbm>> -> memref<1000000x128xf32, #tpu.memory_space<hbm>>
      tpu.enqueue_indirect_dma source(%dma_start3A_25 : memref<1000000x128xf32, #tpu.memory_space<hbm>>) target(%dma_start3A_19 : memref<72x128xf32, #tpu.memory_space<vmem>>) offsets(%dma_start3A_22 : memref<72xi32, #tpu.memory_space<vmem>>) semaphore(%arg8 : memref<!tpu.dma_semaphore, #tpu.memory_space<semaphore_mem>>)
      %dma_wait3A = arith.constant 0 : i32
      %dma_wait3A_26 = arith.constant 0 : i32
      %dma_wait3A_27 = tpu.memref_slice %arg6[%dma_wait3A, %dma_wait3A_26] : memref<200x128xf32, #tpu.memory_space<vmem>> -> memref<128x128xf32, #tpu.memory_space<vmem>>
      %dma_wait3A_28 = arith.constant 0 : i32
      %dma_wait3A_29 = tpu.memref_slice %arg5[%scan3A_8, %dma_wait3A_28] : memref<128x200xi32, #tpu.memory_space<vmem>> -> memref<1x128xi32, #tpu.memory_space<vmem>>
      %dma_wait3A_30 = tpu.memref_squeeze %dma_wait3A_29 : memref<1x128xi32, #tpu.memory_space<vmem>> -> memref<128xi32, #tpu.memory_space<vmem>>
      %dma_wait3A_31 = arith.constant 0 : i32
      %dma_wait3A_32 = arith.constant 0 : i32
      %dma_wait3A_33 = tpu.memref_slice %arg3[%dma_wait3A_31, %dma_wait3A_32] : memref<1000000x128xf32, #tpu.memory_space<hbm>> -> memref<1000000x128xf32, #tpu.memory_space<hbm>>
      tpu.wait_indirect_dma semaphore(%arg8 : memref<!tpu.dma_semaphore, #tpu.memory_space<semaphore_mem>>) src(%dma_wait3A_33 : memref<1000000x128xf32, #tpu.memory_space<hbm>>) dst(%dma_wait3A_27 : memref<128x128xf32, #tpu.memory_space<vmem>>)
      %dma_wait3A_34 = arith.constant 128 : i32
      %dma_wait3A_35 = arith.constant 0 : i32
      %dma_wait3A_36 = tpu.memref_slice %arg6[%dma_wait3A_34, %dma_wait3A_35] : memref<200x128xf32, #tpu.memory_space<vmem>> -> memref<72x128xf32, #tpu.memory_space<vmem>>
      %dma_wait3A_37 = arith.constant 128 : i32
      %dma_wait3A_38 = tpu.memref_slice %arg5[%scan3A_8, %dma_wait3A_37] : memref<128x200xi32, #tpu.memory_space<vmem>> -> memref<1x72xi32, #tpu.memory_space<vmem>>
      %dma_wait3A_39 = tpu.memref_squeeze %dma_wait3A_38 : memref<1x72xi32, #tpu.memory_space<vmem>> -> memref<72xi32, #tpu.memory_space<vmem>>
      %dma_wait3A_40 = arith.constant 0 : i32
      %dma_wait3A_41 = arith.constant 0 : i32
      %dma_wait3A_42 = tpu.memref_slice %arg3[%dma_wait3A_40, %dma_wait3A_41] : memref<1000000x128xf32, #tpu.memory_space<hbm>> -> memref<1000000x128xf32, #tpu.memory_space<hbm>>
      tpu.wait_indirect_dma semaphore(%arg8 : memref<!tpu.dma_semaphore, #tpu.memory_space<semaphore_mem>>) src(%dma_wait3A_42 : memref<1000000x128xf32, #tpu.memory_space<hbm>>) dst(%dma_wait3A_36 : memref<72x128xf32, #tpu.memory_space<vmem>>)
      %broadcast_in_dim3A = arith.constant 0.000000e+00 : f32
      %broadcast_in_dim3A_43 = vector.broadcast %broadcast_in_dim3A : f32 to vector<16xf32>
      %scan3A_44 = arith.constant 0 : i32
      %scan3A_45 = arith.constant 200 : i32
      %scan3A_46 = arith.addi %scan3A_44, %scan3A_45 : i32
      %scan3A_47 = arith.constant 1 : i32
      %scan3A_48:8 = scf.for %scan3A_89 = %scan3A_44 to %scan3A_46 step %scan3A_47 iter_args(%scan3A_90 = %broadcast_in_dim3A_43, %scan3A_91 = %broadcast_in_dim3A_43, %scan3A_92 = %broadcast_in_dim3A_43, %scan3A_93 = %broadcast_in_dim3A_43, %scan3A_94 = %broadcast_in_dim3A_43, %scan3A_95 = %broadcast_in_dim3A_43, %scan3A_96 = %broadcast_in_dim3A_43, %scan3A_97 = %broadcast_in_dim3A_43) -> (vector<16xf32>, vector<16xf32>, vector<16xf32>, vector<16xf32>, vector<16xf32>, vector<16xf32>, vector<16xf32>, vector<16xf32>)  : i32 {
        %get3A = arith.index_cast %scan3A_89 : i32 to index
        %get3A_98 = arith.constant 0 : index
        %get3A_99 = tpu.vector_load %arg6[%get3A, %get3A_98] {strides = array<i32>} : memref<200x128xf32, #tpu.memory_space<vmem>>, vector<1x16xf32>,
        %get3A_100 = vector.shape_cast %get3A_99 : vector<1x16xf32> to vector<16xf32>
        %add3A_101 = arith.addf %scan3A_90, %get3A_100 : vector<16xf32>
        %get3A_102 = arith.index_cast %scan3A_89 : i32 to index
        %get3A_103 = arith.constant 16 : index
        %get3A_104 = tpu.vector_load %arg6[%get3A_102, %get3A_103] {strides = array<i32>} : memref<200x128xf32, #tpu.memory_space<vmem>>, vector<1x16xf32>,
        %get3A_105 = vector.shape_cast %get3A_104 : vector<1x16xf32> to vector<16xf32>
        %add3A_106 = arith.addf %scan3A_91, %get3A_105 : vector<16xf32>
        %get3A_107 = arith.index_cast %scan3A_89 : i32 to index
        %get3A_108 = arith.constant 32 : index
        %get3A_109 = tpu.vector_load %arg6[%get3A_107, %get3A_108] {strides = array<i32>} : memref<200x128xf32, #tpu.memory_space<vmem>>, vector<1x16xf32>,
        %get3A_110 = vector.shape_cast %get3A_109 : vector<1x16xf32> to vector<16xf32>
        %add3A_111 = arith.addf %scan3A_92, %get3A_110 : vector<16xf32>
        %get3A_112 = arith.index_cast %scan3A_89 : i32 to index
        %get3A_113 = arith.constant 48 : index
        %get3A_114 = tpu.vector_load %arg6[%get3A_112, %get3A_113] {strides = array<i32>} : memref<200x128xf32, #tpu.memory_space<vmem>>, vector<1x16xf32>,
        %get3A_115 = vector.shape_cast %get3A_114 : vector<1x16xf32> to vector<16xf32>
        %add3A_116 = arith.addf %scan3A_93, %get3A_115 : vector<16xf32>
        %get3A_117 = arith.index_cast %scan3A_89 : i32 to index
        %get3A_118 = arith.constant 64 : index
        %get3A_119 = tpu.vector_load %arg6[%get3A_117, %get3A_118] {strides = array<i32>} : memref<200x128xf32, #tpu.memory_space<vmem>>, vector<1x16xf32>,
        %get3A_120 = vector.shape_cast %get3A_119 : vector<1x16xf32> to vector<16xf32>
        %add3A_121 = arith.addf %scan3A_94, %get3A_120 : vector<16xf32>
        %get3A_122 = arith.index_cast %scan3A_89 : i32 to index
        %get3A_123 = arith.constant 80 : index
        %get3A_124 = tpu.vector_load %arg6[%get3A_122, %get3A_123] {strides = array<i32>} : memref<200x128xf32, #tpu.memory_space<vmem>>, vector<1x16xf32>,
        %get3A_125 = vector.shape_cast %get3A_124 : vector<1x16xf32> to vector<16xf32>
        %add3A_126 = arith.addf %scan3A_95, %get3A_125 : vector<16xf32>
        %get3A_127 = arith.index_cast %scan3A_89 : i32 to index
        %get3A_128 = arith.constant 96 : index
        %get3A_129 = tpu.vector_load %arg6[%get3A_127, %get3A_128] {strides = array<i32>} : memref<200x128xf32, #tpu.memory_space<vmem>>, vector<1x16xf32>,
        %get3A_130 = vector.shape_cast %get3A_129 : vector<1x16xf32> to vector<16xf32>
        %add3A_131 = arith.addf %scan3A_96, %get3A_130 : vector<16xf32>
        %get3A_132 = arith.index_cast %scan3A_89 : i32 to index
        %get3A_133 = arith.constant 112 : index
        %get3A_134 = tpu.vector_load %arg6[%get3A_132, %get3A_133] {strides = array<i32>} : memref<200x128xf32, #tpu.memory_space<vmem>>, vector<1x16xf32>,
        %get3A_135 = vector.shape_cast %get3A_134 : vector<1x16xf32> to vector<16xf32>
        %add3A_136 = arith.addf %scan3A_97, %get3A_135 : vector<16xf32>
        scf.yield %add3A_101, %add3A_106, %add3A_111, %add3A_116, %add3A_121, %add3A_126, %add3A_131, %add3A_136 : vector<16xf32>, vector<16xf32>, vector<16xf32>, vector<16xf32>, vector<16xf32>, vector<16xf32>, vector<16xf32>, vector<16xf32>
      }
      %scan3A_49 = arith.constant 200 : i32
      %swap3A = arith.index_cast %scan3A_8 : i32 to index
      %swap3A_50 = arith.constant 0 : index
      %swap3A_51 = tpu.vector_load %arg7[%swap3A, %swap3A_50] {strides = array<i32>} : memref<128x128xf32, #tpu.memory_space<vmem>>, vector<1x16xf32>,
      %swap3A_52 = vector.shape_cast %swap3A_51 : vector<1x16xf32> to vector<16xf32>
      %swap3A_53 = vector.shape_cast %scan3A_48#0 : vector<16xf32> to vector<1x16xf32>
      tpu.vector_store %arg7[%swap3A, %swap3A_50], %swap3A_53 {strides = array<i32>} : memref<128x128xf32, #tpu.memory_space<vmem>>, vector<1x16xf32>,
      %swap3A_54 = arith.index_cast %scan3A_8 : i32 to index
      %swap3A_55 = arith.constant 16 : index
      %swap3A_56 = tpu.vector_load %arg7[%swap3A_54, %swap3A_55] {strides = array<i32>} : memref<128x128xf32, #tpu.memory_space<vmem>>, vector<1x16xf32>,
      %swap3A_57 = vector.shape_cast %swap3A_56 : vector<1x16xf32> to vector<16xf32>
      %swap3A_58 = vector.shape_cast %scan3A_48#1 : vector<16xf32> to vector<1x16xf32>
      tpu.vector_store %arg7[%swap3A_54, %swap3A_55], %swap3A_58 {strides = array<i32>} : memref<128x128xf32, #tpu.memory_space<vmem>>, vector<1x16xf32>,
      %swap3A_59 = arith.index_cast %scan3A_8 : i32 to index
      %swap3A_60 = arith.constant 32 : index
      %swap3A_61 = tpu.vector_load %arg7[%swap3A_59, %swap3A_60] {strides = array<i32>} : memref<128x128xf32, #tpu.memory_space<vmem>>, vector<1x16xf32>,
      %swap3A_62 = vector.shape_cast %swap3A_61 : vector<1x16xf32> to vector<16xf32>
      %swap3A_63 = vector.shape_cast %scan3A_48#2 : vector<16xf32> to vector<1x16xf32>
      tpu.vector_store %arg7[%swap3A_59, %swap3A_60], %swap3A_63 {strides = array<i32>} : memref<128x128xf32, #tpu.memory_space<vmem>>, vector<1x16xf32>,
      %swap3A_64 = arith.index_cast %scan3A_8 : i32 to index
      %swap3A_65 = arith.constant 48 : index
      %swap3A_66 = tpu.vector_load %arg7[%swap3A_64, %swap3A_65] {strides = array<i32>} : memref<128x128xf32, #tpu.memory_space<vmem>>, vector<1x16xf32>,
      %swap3A_67 = vector.shape_cast %swap3A_66 : vector<1x16xf32> to vector<16xf32>
      %swap3A_68 = vector.shape_cast %scan3A_48#3 : vector<16xf32> to vector<1x16xf32>
      tpu.vector_store %arg7[%swap3A_64, %swap3A_65], %swap3A_68 {strides = array<i32>} : memref<128x128xf32, #tpu.memory_space<vmem>>, vector<1x16xf32>,
      %swap3A_69 = arith.index_cast %scan3A_8 : i32 to index
      %swap3A_70 = arith.constant 64 : index
      %swap3A_71 = tpu.vector_load %arg7[%swap3A_69, %swap3A_70] {strides = array<i32>} : memref<128x128xf32, #tpu.memory_space<vmem>>, vector<1x16xf32>,
      %swap3A_72 = vector.shape_cast %swap3A_71 : vector<1x16xf32> to vector<16xf32>
      %swap3A_73 = vector.shape_cast %scan3A_48#4 : vector<16xf32> to vector<1x16xf32>
      tpu.vector_store %arg7[%swap3A_69, %swap3A_70], %swap3A_73 {strides = array<i32>} : memref<128x128xf32, #tpu.memory_space<vmem>>, vector<1x16xf32>,
      %swap3A_74 = arith.index_cast %scan3A_8 : i32 to index
      %swap3A_75 = arith.constant 80 : index
      %swap3A_76 = tpu.vector_load %arg7[%swap3A_74, %swap3A_75] {strides = array<i32>} : memref<128x128xf32, #tpu.memory_space<vmem>>, vector<1x16xf32>,
      %swap3A_77 = vector.shape_cast %swap3A_76 : vector<1x16xf32> to vector<16xf32>
      %swap3A_78 = vector.shape_cast %scan3A_48#5 : vector<16xf32> to vector<1x16xf32>
      tpu.vector_store %arg7[%swap3A_74, %swap3A_75], %swap3A_78 {strides = array<i32>} : memref<128x128xf32, #tpu.memory_space<vmem>>, vector<1x16xf32>,
      %swap3A_79 = arith.index_cast %scan3A_8 : i32 to index
      %swap3A_80 = arith.constant 96 : index
      %swap3A_81 = tpu.vector_load %arg7[%swap3A_79, %swap3A_80] {strides = array<i32>} : memref<128x128xf32, #tpu.memory_space<vmem>>, vector<1x16xf32>,
      %swap3A_82 = vector.shape_cast %swap3A_81 : vector<1x16xf32> to vector<16xf32>
      %swap3A_83 = vector.shape_cast %scan3A_48#6 : vector<16xf32> to vector<1x16xf32>
      tpu.vector_store %arg7[%swap3A_79, %swap3A_80], %swap3A_83 {strides = array<i32>} : memref<128x128xf32, #tpu.memory_space<vmem>>, vector<1x16xf32>,
      %swap3A_84 = arith.index_cast %scan3A_8 : i32 to index
      %swap3A_85 = arith.constant 112 : index
      %swap3A_86 = tpu.vector_load %arg7[%swap3A_84, %swap3A_85] {strides = array<i32>} : memref<128x128xf32, #tpu.memory_space<vmem>>, vector<1x16xf32>,
      %swap3A_87 = vector.shape_cast %swap3A_86 : vector<1x16xf32> to vector<16xf32>
      %swap3A_88 = vector.shape_cast %scan3A_48#7 : vector<16xf32> to vector<1x16xf32>
      tpu.vector_store %arg7[%swap3A_84, %swap3A_85], %swap3A_88 {strides = array<i32>} : memref<128x128xf32, #tpu.memory_space<vmem>>, vector<1x16xf32>,
    }
    %scan3A_7 = arith.constant 128 : i32
    "tpu.region"() ({
      %run_scoped3A = tpu.sem_alloc : memref<!tpu.dma_semaphore, #tpu.memory_space<semaphore_mem>>
      %dma_start3A = arith.constant 0 : i32
      %dma_start3A_8 = tpu.memref_slice %arg4[%mul3A_2, %dma_start3A] : memref<4096x128xf32, #tpu.memory_space<hbm>> -> memref<128x128xf32, #tpu.memory_space<hbm>>
      %dma_start3A_9 = arith.constant 0 : i32
      %dma_start3A_10 = tpu.memref_slice %arg4[%mul3A_2, %dma_start3A_9] : memref<4096x128xf32, #tpu.memory_space<hbm>> -> memref<128x128xf32, #tpu.memory_space<hbm>>
      tpu.enqueue_dma source(%arg7 : memref<128x128xf32, #tpu.memory_space<vmem>>) target(%dma_start3A_10 : memref<128x128xf32, #tpu.memory_space<hbm>>) target_semaphore(%run_scoped3A : memref<!tpu.dma_semaphore, #tpu.memory_space<semaphore_mem>>)
      %dma_wait3A = arith.constant 0 : i32
      %dma_wait3A_11 = tpu.memref_slice %arg4[%mul3A_2, %dma_wait3A] : memref<4096x128xf32, #tpu.memory_space<hbm>> -> memref<128x128xf32, #tpu.memory_space<hbm>>
      %dma_wait3A_12 = arith.constant 0 : i32
      %dma_wait3A_13 = tpu.memref_slice %arg4[%mul3A_2, %dma_wait3A_12] : memref<4096x128xf32, #tpu.memory_space<hbm>> -> memref<128x128xf32, #tpu.memory_space<hbm>>
      tpu.wait_dma2 semaphore(%run_scoped3A : memref<!tpu.dma_semaphore, #tpu.memory_space<semaphore_mem>>) src(%arg7 : memref<128x128xf32, #tpu.memory_space<vmem>>) dst(%dma_wait3A_13 : memref<128x128xf32, #tpu.memory_space<hbm>>)
      tpu.yield
    }) : () -> ()
    return
  }
}

module attributes {stable_mosaic.version = 14 : i64} {
  func.func @_mlp_body(%arg0: memref<4096x128xf32, #tpu.memory_space<vmem>>, %arg1: memref<128x64xf32, #tpu.memory_space<vmem>>, %arg2: memref<1x64xf32, #tpu.memory_space<vmem>>, %arg3: memref<1x64xf32, #tpu.memory_space<vmem>>, %arg4: memref<1x64xf32, #tpu.memory_space<vmem>>, %arg5: memref<64x16xf32, #tpu.memory_space<vmem>>, %arg6: memref<1x16xf32, #tpu.memory_space<vmem>>, %arg7: memref<1x16xf32, #tpu.memory_space<vmem>>, %arg8: memref<1x16xf32, #tpu.memory_space<vmem>>, %arg9: memref<4096x16xf32, #tpu.memory_space<vmem>>) attributes {dimension_semantics = [], scalar_prefetch = 0 : i64, scratch_operands = 0 : i64, tpu.core_type = #tpu.core_type<tc>} {
    %get3A = arith.constant 0 : index
    %get3A_0 = arith.constant 0 : index
    %get3A_1 = vector.load %arg0[%get3A, %get3A_0] : memref<4096x128xf32, #tpu.memory_space<vmem>>, vector<4096x128xf32>
    %mul3A = arith.constant 5.000000e-03 : f32
    %mul3A_2 = vector.broadcast %mul3A : f32 to vector<4096x128xf32>
    %mul3A_3 = arith.mulf %get3A_1, %mul3A_2 : vector<4096x128xf32>
    %get3A_4 = arith.constant 0 : index
    %get3A_5 = arith.constant 0 : index
    %get3A_6 = vector.load %arg1[%get3A_4, %get3A_5] : memref<128x64xf32, #tpu.memory_space<vmem>>, vector<128x64xf32>
    %dot_general3A = arith.constant dense<0.000000e+00> : vector<4096x64xf32>
    %dot_general3A_7 = tpu.matmul %mul3A_3, %get3A_6, %dot_general3A {dimension_numbers = #tpu.dot_dimension_numbers<[1], [0], [0], [1], [0, 0, 1, 1], [], []>, transpose_lhs_hint = false} : vector<4096x128xf32>, vector<128x64xf32>, vector<4096x64xf32> -> vector<4096x64xf32>
    %get3A_8 = arith.constant 0 : index
    %get3A_9 = arith.constant 0 : index
    %get3A_10 = vector.load %arg2[%get3A_8, %get3A_9] : memref<1x64xf32, #tpu.memory_space<vmem>>, vector<1x64xf32>
    %add3A = vector.broadcast %get3A_10 : vector<1x64xf32> to vector<4096x64xf32>
    %add3A_11 = arith.addf %dot_general3A_7, %add3A : vector<4096x64xf32>
    %reduce_sum3A = arith.constant dense<0.000000e+00> : vector<64xf32>
    %reduce_sum3A_12 = vector.multi_reduction <add>, %add3A_11, %reduce_sum3A [0] : vector<4096x64xf32> to vector<64xf32>
    %broadcast_in_dim3A = vector.shape_cast %reduce_sum3A_12 : vector<64xf32> to vector<1x64xf32>
    %div3A = arith.constant 4.096000e+03 : f32
    %div3A_13 = vector.broadcast %div3A : f32 to vector<1x64xf32>
    %div3A_14 = arith.divf %broadcast_in_dim3A, %div3A_13 : vector<1x64xf32>
    %sub3A = vector.broadcast %div3A_14 : vector<1x64xf32> to vector<4096x64xf32>
    %sub3A_15 = arith.subf %add3A_11, %sub3A : vector<4096x64xf32>
    %square3A = arith.mulf %sub3A_15, %sub3A_15 : vector<4096x64xf32>
    %reduce_sum3A_16 = arith.constant dense<0.000000e+00> : vector<64xf32>
    %reduce_sum3A_17 = vector.multi_reduction <add>, %square3A, %reduce_sum3A_16 [0] : vector<4096x64xf32> to vector<64xf32>
    %broadcast_in_dim3A_18 = vector.shape_cast %reduce_sum3A_17 : vector<64xf32> to vector<1x64xf32>
    %div3A_19 = arith.constant 4.096000e+03 : f32
    %div3A_20 = vector.broadcast %div3A_19 : f32 to vector<1x64xf32>
    %div3A_21 = arith.divf %broadcast_in_dim3A_18, %div3A_20 : vector<1x64xf32>
    %get3A_22 = arith.constant 0 : index
    %get3A_23 = arith.constant 0 : index
    %get3A_24 = vector.load %arg3[%get3A_22, %get3A_23] : memref<1x64xf32, #tpu.memory_space<vmem>>, vector<1x64xf32>
    %sub3A_25 = vector.broadcast %div3A_14 : vector<1x64xf32> to vector<4096x64xf32>
    %sub3A_26 = arith.subf %add3A_11, %sub3A_25 : vector<4096x64xf32>
    %mul3A_27 = vector.broadcast %get3A_24 : vector<1x64xf32> to vector<4096x64xf32>
    %mul3A_28 = arith.mulf %mul3A_27, %sub3A_26 : vector<4096x64xf32>
    %add3A_29 = arith.constant 9.99999974E-6 : f32
    %add3A_30 = vector.broadcast %add3A_29 : f32 to vector<1x64xf32>
    %add3A_31 = arith.addf %div3A_21, %add3A_30 : vector<1x64xf32>
    %rsqrt3A = math.rsqrt %add3A_31 : vector<1x64xf32>
    %mul3A_32 = vector.broadcast %rsqrt3A : vector<1x64xf32> to vector<4096x64xf32>
    %mul3A_33 = arith.mulf %mul3A_28, %mul3A_32 : vector<4096x64xf32>
    %get3A_34 = arith.constant 0 : index
    %get3A_35 = arith.constant 0 : index
    %get3A_36 = vector.load %arg4[%get3A_34, %get3A_35] : memref<1x64xf32, #tpu.memory_space<vmem>>, vector<1x64xf32>
    %add3A_37 = vector.broadcast %get3A_36 : vector<1x64xf32> to vector<4096x64xf32>
    %add3A_38 = arith.addf %mul3A_33, %add3A_37 : vector<4096x64xf32>
    %tanh3A = math.tanh %add3A_38 : vector<4096x64xf32>
    %get3A_39 = arith.constant 0 : index
    %get3A_40 = arith.constant 0 : index
    %get3A_41 = vector.load %arg5[%get3A_39, %get3A_40] : memref<64x16xf32, #tpu.memory_space<vmem>>, vector<64x16xf32>
    %dot_general3A_42 = arith.constant dense<0.000000e+00> : vector<4096x16xf32>
    %dot_general3A_43 = tpu.matmul %tanh3A, %get3A_41, %dot_general3A_42 {dimension_numbers = #tpu.dot_dimension_numbers<[1], [0], [0], [1], [0, 0, 1, 1], [], []>, transpose_lhs_hint = false} : vector<4096x64xf32>, vector<64x16xf32>, vector<4096x16xf32> -> vector<4096x16xf32>
    %get3A_44 = arith.constant 0 : index
    %get3A_45 = arith.constant 0 : index
    %get3A_46 = vector.load %arg6[%get3A_44, %get3A_45] : memref<1x16xf32, #tpu.memory_space<vmem>>, vector<1x16xf32>
    %add3A_47 = vector.broadcast %get3A_46 : vector<1x16xf32> to vector<4096x16xf32>
    %add3A_48 = arith.addf %dot_general3A_43, %add3A_47 : vector<4096x16xf32>
    %reduce_sum3A_49 = arith.constant dense<0.000000e+00> : vector<16xf32>
    %reduce_sum3A_50 = vector.multi_reduction <add>, %add3A_48, %reduce_sum3A_49 [0] : vector<4096x16xf32> to vector<16xf32>
    %broadcast_in_dim3A_51 = vector.shape_cast %reduce_sum3A_50 : vector<16xf32> to vector<1x16xf32>
    %div3A_52 = arith.constant 4.096000e+03 : f32
    %div3A_53 = vector.broadcast %div3A_52 : f32 to vector<1x16xf32>
    %div3A_54 = arith.divf %broadcast_in_dim3A_51, %div3A_53 : vector<1x16xf32>
    %sub3A_55 = vector.broadcast %div3A_54 : vector<1x16xf32> to vector<4096x16xf32>
    %sub3A_56 = arith.subf %add3A_48, %sub3A_55 : vector<4096x16xf32>
    %square3A_57 = arith.mulf %sub3A_56, %sub3A_56 : vector<4096x16xf32>
    %reduce_sum3A_58 = arith.constant dense<0.000000e+00> : vector<16xf32>
    %reduce_sum3A_59 = vector.multi_reduction <add>, %square3A_57, %reduce_sum3A_58 [0] : vector<4096x16xf32> to vector<16xf32>
    %broadcast_in_dim3A_60 = vector.shape_cast %reduce_sum3A_59 : vector<16xf32> to vector<1x16xf32>
    %div3A_61 = arith.constant 4.096000e+03 : f32
    %div3A_62 = vector.broadcast %div3A_61 : f32 to vector<1x16xf32>
    %div3A_63 = arith.divf %broadcast_in_dim3A_60, %div3A_62 : vector<1x16xf32>
    %get3A_64 = arith.constant 0 : index
    %get3A_65 = arith.constant 0 : index
    %get3A_66 = vector.load %arg7[%get3A_64, %get3A_65] : memref<1x16xf32, #tpu.memory_space<vmem>>, vector<1x16xf32>
    %sub3A_67 = vector.broadcast %div3A_54 : vector<1x16xf32> to vector<4096x16xf32>
    %sub3A_68 = arith.subf %add3A_48, %sub3A_67 : vector<4096x16xf32>
    %mul3A_69 = vector.broadcast %get3A_66 : vector<1x16xf32> to vector<4096x16xf32>
    %mul3A_70 = arith.mulf %mul3A_69, %sub3A_68 : vector<4096x16xf32>
    %add3A_71 = arith.constant 9.99999974E-6 : f32
    %add3A_72 = vector.broadcast %add3A_71 : f32 to vector<1x16xf32>
    %add3A_73 = arith.addf %div3A_63, %add3A_72 : vector<1x16xf32>
    %rsqrt3A_74 = math.rsqrt %add3A_73 : vector<1x16xf32>
    %mul3A_75 = vector.broadcast %rsqrt3A_74 : vector<1x16xf32> to vector<4096x16xf32>
    %mul3A_76 = arith.mulf %mul3A_70, %mul3A_75 : vector<4096x16xf32>
    %get3A_77 = arith.constant 0 : index
    %get3A_78 = arith.constant 0 : index
    %get3A_79 = vector.load %arg8[%get3A_77, %get3A_78] : memref<1x16xf32, #tpu.memory_space<vmem>>, vector<1x16xf32>
    %add3A_80 = vector.broadcast %get3A_79 : vector<1x16xf32> to vector<4096x16xf32>
    %add3A_81 = arith.addf %mul3A_76, %add3A_80 : vector<4096x16xf32>
    %logistic3A = arith.negf %add3A_81 : vector<4096x16xf32>
    %logistic3A_82 = math.exp %logistic3A : vector<4096x16xf32>
    %logistic3A_83 = arith.constant 1.000000e+00 : f32
    %logistic3A_84 = vector.broadcast %logistic3A_83 : f32 to vector<4096x16xf32>
    %logistic3A_85 = arith.addf %logistic3A_84, %logistic3A_82 : vector<4096x16xf32>
    %logistic3A_86 = arith.divf %logistic3A_84, %logistic3A_85 : vector<4096x16xf32>
    %swap3A = arith.constant 0 : index
    %swap3A_87 = arith.constant 0 : index
    %swap3A_88 = vector.load %arg9[%swap3A, %swap3A_87] : memref<4096x16xf32, #tpu.memory_space<vmem>>, vector<4096x16xf32>
    tpu.vector_store %arg9[%swap3A, %swap3A_87], %logistic3A_86 {strides = array<i32>} : memref<4096x16xf32, #tpu.memory_space<vmem>>, vector<4096x16xf32>,
    return
  }
}

</mosaic_0001>

<sc_bundles>
// kernel: kernel.4.cloned.1.call-start
scs
__scs_entry_jumppad:
0x0: {  	(pc) =	sbr.rel $0x88, $3  }
0x1: {  	(tag) =	ssettag $0x0;
	lr =	simm.s32 $0x1  }
0x2: {  	[smem:$0x3F97] =	sst lr;
	_ =	strace $0xD0000000  }
0x3: {  	_ = 	snop  }
0x4: {  	_ = 	snop  }
0x5: {  	_ = 	snop  }
0x6: {  	_ = 	snop  }
0x7: {  	_ = 	snop  }
__scs_overlays_trampoline_lowered:
0x8: {  	[smem:$0x3FA6] =	sst s0  }
0x9: {  	[smem:$0x3FA7] =	sst s1  }
0xa: {  	[smem:$0x3FA8] =	sst s2  }
0xb: {  	[smem:$0x3FA9] =	sst s3  }
0xc: {  	[smem:$0x3FAA] =	sst s4  }
0xd: {  	[smem:$0x3FAB] =	sst s5  }
0xe: {  	[smem:$0x3FAC] =	sst s6  }
0xf: {  	[smem:$0x3FAD] =	sst s7  }
0x10: {  	[smem:$0x3FAE] =	sst s8  }
0x11: {  	[smem:$0x3FAF] =	sst s9;
	s0 =	simm.s32 @!p0 $0x0  }
0x12: {  	s1 =	sld [smem:$0x3F95];
	s0 =	simm.s32 @p0 $0x1  }
0x13: {  	[smem:$0x3FB0] =	sst s0;
	s0 =	simm.s32 @!p1 $0x0  }
0x14: {  	s2 =	sld [smem:$0x3F94];
	s0 =	simm.s32 @p1 $0x1  }
0x15: {  	[smem:$0x3FB1] =	sst s0;
	s0 =	simm.s32 @!p2 $0x0  }
0x16: {  	s3 =	sld [smem:$0x3FDB];
	s0 =	simm.s32 @p2 $0x1  }
0x17: {  	s4 =	simm.s32 $0x1BF5;
	[smem:$0x3FB3] =	sst s0  }
0x18: {  	s0 =	sld [smem:$0x3F96];
	_ =	swait.ge [sflag:s4], $0x0  }
0x19: {  	s7 =	sld [smem:$0x3F97]  }
0x1a: {  	s8 =	sadd.s32 $0xFFFFE003, lr  }
0x1b: {  	s9 =	sadd.s32 $0xFFFFFEF7, lr;
	s5 =	simm.s32 $0xFFFFFFFF;
	p2 =	slt.u32 s8, $0xFFFFF086  }
0x1c: {  	p1 =	slt.u32 s9, $0xF7A;
	s5 =	simm.s32 @!p2 $0x0  }
0x1d: {  	s5 =	simm.s32 @p1 $0x1;
	p0 =	seq.s32 s7, s2  }
0x1e: {  	s7 =	smul.u32 @!p0 $0xF7A, s2;
	p2 =	seq.s32 @!p0 s5, $0x0  }
0x1f: {  	s9 =	smul.u32 $0xF7A, s1;
	s8 =	simm.s32 @!p0 $0x1BF5;
	p2 =	por !p2, p0  }
0x20: {  	[sflag:s8] =	ssyncset.s32 @!p0 $0xFFFFF086;
	s6 =	sadd.s32 @!p0 s3, s7;
	s7 =	simm.s32 @!p0 $0x108  }
0x21: {  	s3 =	sadd.s32 s3, s9;
	s6 =	sadd.s32 @!p0 $0x88, s6;
	s7 =	simm.s32 @p2 $0x1082  }
0x22: {  	[simem:s7], [sflag:s8] =	dma.local @!p0 [hbm:s6], $0xF7A  }
0x23: {  	s9 =	sor.u32 $0xD0000000, s2;
	s6 =	simm.s32 $0x108;
	_ =	swait.ge @!p0 [sflag:s8], $0x0  }
0x24: {  	s3 =	sadd.s32 $0x88, s3;
	s6 =	simm.s32 @!p1 $0x1082;
	[sflag:s4] =	ssyncset.s32 $0xFFFFF086  }
0x25: {  	[simem:s6], [sflag:s4] =	dma.local [hbm:s3], $0xF7A  }
0x26: {  	[smem:$0x3F97] =	sst s1;
	(tag) =	ssettag s2;
	_ =	strace s9  }
0x27: {  	s1 =	sld [smem:$0x3FA7]  }
0x28: {  	s2 =	sld [smem:$0x3FA8]  }
0x29: {  	s4 =	sld [smem:$0x3FAA]  }
0x2a: {  	p0 =	seq.s32 s5, $0x0;
	s5 =	sld [smem:$0x3FAB]  }
0x2b: {  	s6 =	sld [smem:$0x3FAC]  }
0x2c: {  	s7 =	sld [smem:$0x3FAD]  }
0x2d: {  	s3 =	simm.s32 $0x108;
	s8 =	sld [smem:$0x3FAE]  }
0x2e: {  	s3 =	simm.s32 @!p0 $0x1082;
	s9 =	sld [smem:$0x3FAF]  }
0x2f: {  	lr =	sadd.s32 s0, s3;
	s0 =	sld [smem:$0x3FA6]  }
0x30: {  	s3 =	sld [smem:$0x3FA9]  }
0x31: {  	[smem:$0x3FB2] =	sst s10  }
0x32: {  	s10 =	sld [smem:$0x3FB0];
	_ =	sdelay $0x3  }
0x33: {  	p0 =	seq.s32 s10, $0x1;
	s10 =	sld [smem:$0x3FB2];
	_ =	sdelay $0x3  }
0x34: {  	[smem:$0x3FB2] =	sst s10  }
0x35: {  	s10 =	sld [smem:$0x3FB1];
	_ =	sdelay $0x3  }
0x36: {  	p1 =	seq.s32 s10, $0x1;
	s10 =	sld [smem:$0x3FB2];
	_ =	sdelay $0x3  }
0x37: {  	[smem:$0x3FB2] =	sst s10  }
0x38: {  	s10 =	sld [smem:$0x3FB3]  }
0x39: {  	_ = 	snop;
	(pc) =	sbr.ind lr, $3  }
0x3a: {  	_ = 	snop  }
0x3b: {  	_ = 	snop  }
0x3c: {  	p2 =	seq.s32 s10, $0x1;
	s10 =	sld [smem:$0x3FB2]  }
0x3d: {  	_ =	shalt  }
0x3e: {  	_ =	shalt  }
0x3f: {  	_ =	shalt  }
0x40: {  	_ =	shalt  }
0x41: {  	_ =	shalt  }
0x42: {  	_ =	shalt  }
0x43: {  	_ =	shalt  }
0x44: {  	_ =	shalt  }
0x45: {  	_ =	shalt  }
0x46: {  	_ =	shalt  }
0x47: {  	_ =	shalt  }
0x48: {  	_ =	shalt  }
0x49: {  	_ =	shalt  }
0x4a: {  	_ =	shalt  }
0x4b: {  	_ =	shalt  }
0x4c: {  	_ =	shalt  }
0x4d: {  	_ =	shalt  }
0x4e: {  	_ =	shalt  }
0x4f: {  	_ =	shalt  }
0x50: {  	_ =	shalt  }
0x51: {  	_ =	shalt  }
0x52: {  	_ =	shalt  }
0x53: {  	_ =	shalt  }
0x54: {  	_ =	shalt  }
0x55: {  	_ =	shalt  }
0x56: {  	_ =	shalt  }
0x57: {  	_ =	shalt  }
0x58: {  	_ =	shalt  }
0x59: {  	_ =	shalt  }
0x5a: {  	_ =	shalt  }
0x5b: {  	_ =	shalt  }
0x5c: {  	_ =	shalt  }
0x5d: {  	_ =	shalt  }
0x5e: {  	_ =	shalt  }
0x5f: {  	_ =	shalt  }
0x60: {  	_ =	shalt  }
0x61: {  	_ =	shalt  }
0x62: {  	_ =	shalt  }
0x63: {  	_ =	shalt  }
0x64: {  	_ =	shalt  }
0x65: {  	_ =	shalt  }
0x66: {  	_ =	shalt  }
0x67: {  	_ =	shalt  }
0x68: {  	_ =	shalt  }
0x69: {  	_ =	shalt  }
0x6a: {  	_ =	shalt  }
0x6b: {  	_ =	shalt  }
0x6c: {  	_ =	shalt  }
0x6d: {  	_ =	shalt  }
0x6e: {  	_ =	shalt  }
0x6f: {  	_ =	shalt  }
0x70: {  	_ =	shalt  }
0x71: {  	_ =	shalt  }
0x72: {  	_ =	shalt  }
0x73: {  	_ =	shalt  }
0x74: {  	_ =	shalt  }
0x75: {  	_ =	shalt  }
0x76: {  	_ =	shalt  }
0x77: {  	_ =	shalt  }
0x78: {  	_ =	shalt  }
0x79: {  	_ =	shalt  }
0x7a: {  	_ =	shalt  }
0x7b: {  	_ =	shalt  }
0x7c: {  	_ =	shalt  }
0x7d: {  	_ =	shalt  }
0x7e: {  	_ =	shalt  }
0x7f: {  	_ =	shalt  }
0x80: {  	_ =	shalt  }
0x81: {  	_ =	shalt  }
0x82: {  	_ =	shalt  }
0x83: {  	_ =	shalt  }
0x84: {  	_ =	shalt  }
0x85: {  	_ =	shalt  }
0x86: {  	_ =	shalt  }
0x87: {  	_ =	shalt  }
.Lfunc_end0:
.L_simem_size_0:
called_computation_lowered:
.L_overlay_start_0:
0x88: {  	s2 =	sld [smem:$0x3FD9]  }
0x89: {  	s3 =	sld [smem:$0x3FFE];
	_ =	sdelay $0x1  }
0x8a: {  	s1 =	srdreg.scid  }
0x8b: {  	s0 =	sand.u32 $0x1, s1  }
0x8c: {  	s17 =	sshll.u32 s0, $0xA;
	s2 =	sadd.s32 s3, s2  }
0x8d: {  	s2 =	sadd.s32 s2, s17  }
0x8e: {  	[smem:$0x3FBE] =	sst s2  }
0x8f: {  	_ = 	snop  }
0x90: {  	s2 =	sld [smem:$0x3FC8];
	(tm) =	ssettm $0x1  }
0x91: {  	s18 =	sld [smem:$0x3FFB];
	_ =	sdelay $0x3  }
0x92: {  	_ =	strace s18  }
0x93: {  	s3 =	sld [smem:$0x3FFC];
	_ =	sdelay $0x3  }
0x94: {  	_ =	strace s3  }
0x95: {  	s3 =	sld [smem:$0x3FFD];
	_ =	sdelay $0x3  }
0x96: {  	_ =	strace s3  }
0x97: {  	_ =	strace $0x8FFFFFFF  }
0x98: {  	s19 =	sld [smem:$0x3FDB];
	_ =	sdelay $0x1  }
0x99: {  	s4 =	simm.s32 $_scs_section_size  }
0x9a: {  	s5 =	simm.s32 $_size__tile_overlayer_lowered;
	s6 =	simm.s32 $_tile_overlayer_lowered  }
0x9b: {  	s22 =	simm.s32 $0x1BFF;
	s21 =	sshll.u32 s6, $0x1;
	s3 =	sadd.s32 s4, s19  }
0x9c: {  	s7 =	simm.s32 $0x0;
	s20 =	sshll.u32 s5, $0x1;
	s5 =	sadd.s32 s21, s3  }
0x9d: {  	[timem:s7], [sflag:s22] =	dma.local [hbm:s5], s20  }
0x9e: {  	_ =	swait.ge [sflag:s22], s20  }
0x9f: {  	s4 =	ssub.s32 $0x0, s20;
	[sflag:s22] =	ssyncset.done $0x0  }
0xa0: {  	[sflag:s22] =	ssyncadd.s32 s4;
	_ =	sdelay $0x1  }
0xa1: {  	s23 =	simm.s32 $0x1B8B  }
0xa2: {  	_ =	swait.ge [sflag:s23], $0x1  }
0xa3: {  	[sflag:s23] =	ssyncset.done $0x0  }
0xa4: {  	s25 =	simm.s32 $0x1B8E;
	s24 =	sld [smem:$0x3FFE];
	[sflag:s23] =	ssyncadd.s32 $0xFFFFFFFF  }
0xa5: {  	s26 =	simm.s32 $execute0_lowered;
	[smem:$0x3FD2] =	sst s25  }
0xa6: {  	s5 =	sshll.u32 s26, $0x1;
	_ =	strace $0x80000046;
	[dreg:$0x1] =	wrdreg $0xFFFFFFFF  }
0xa7: {  	s28 =	simm.s32 $_size_execute0_lowered;
	s3 =	sadd.s32 s3, s5;
	[dreg:$0x0] =	wrdreg $0x0  }
0xa8: {  	s5 =	sshll.u32 s28, $0x1;
	[dreg:$0x2] =	wrdreg s3  }
0xa9: {  	[dreg:$0x3] =	wrdreg s5  }
0xaa: {  	[dreg:$0x4] =	wrdreg $0xC0  }
0xab: {  	_ =	task [dreg:s7], $0x5FFFF  }
0xac: {  	[dreg:$0x1] =	wrdreg $0xFFFFFFFF  }
0xad: {  	[dreg:$0x0] =	wrdreg $0x60  }
0xae: {  	[dreg:$0x2] =	wrdreg s24  }
0xaf: {  	[dreg:$0x3] =	wrdreg s2  }
0xb0: {  	[dreg:$0x4] =	wrdreg $0x9  }
0xb1: {  	_ =	task.clear_ibuf [dreg:s7], $0x5FFFF;
	_ =	strace $0x90000046  }
0xb2: {  	s29 =	simm.s32 $0x9;
	_ =	strace $0x80000048  }
0xb3: {  	_ =	swait.ge [sflag:s29], $0x1  }
0xb4: {  	[sflag:s29] =	ssyncadd.s32 $0xFFFFFFFF  }
0xb5: {  	_ =	strace $0x90000048  }
0xb6: {  	_ =	sfence  }
0xb7: {  	s30 =	sld [smem:$0x0];
	_ =	sdelay $0x2  }
0xb8: {  	s31 =	sshll.u32 s1, $0xD;
	s1 =	sshrl.u32 s1, $0x2  }
0xb9: {  	s3 =	sand.u32 $0x4000, s31;
	s1 =	sadd.s32 s1, s30  }
0xba: {  	s0 =	sor.u32 s3, s0;
	s1 =	sshll.u32 s1, $0x11  }
0xbb: {  	s0 =	sor.u32 s1, s0  }
0xbc: {  	s0 =	sadd.s32 $0x8F2B, s0  }
0xbd: {  	[sflag:s0] =	ssyncadd.remote.s32 $0x1  }
0xbe: {  	_ =	sfence.sel $0xFFFF  }
0xbf: {  	[dreg:$0x0] =	wrdreg $0xFFFFFFFF;
	(pc) =	sbr.abs _section_cstart, $3  }
0xc0: {  	[dreg:$0x1] =	wrdreg $0xFFFFFFFF  }
0xc1: {  	_ =	task.clear_ibuf [dreg:s7], $0x2FFFF;
	_ =	strace $0x9FFFFFFF  }
0xc2: {  	(tm) =	ssettm $0x7FFFFFFF  }
0xc3: {  	_ =	shalt  }
tec
execute0_lowered:
.L_overlay_start_1:
0x0: {  	(tag) =	ssettag $0x1  }
0x1: {  	s4 =	rddreg [dreg:$0x0]  }
0x2: {  	s2 =	rddreg [dreg:$0x1]  }
0x3: {  	s0 =	rddreg [dreg:$0x2];
	s5 =	srdreg.scid  }
0x4: {  	s3 =	simm.s32 $0x0;
	s1 =	stileid.u32;
	s9 =	simm.s32 $0x8000  }
0x5: {  	s10 =	simm.s32 $0x48;
	s11 =	simm.s32 $0xC000;
	s12 =	simm.s32 $0x1  }
0x6: {  	s13 =	simm.s32 $0xE400;
	s14 =	simm.s32 $0x0;
	s5 =	sand.u32 $0x1, s5  }
0x7: {  	[smem:$0x7FF] =	sst s3;
	s6 =	sshll.u32 s1, $0x8;
	s7 =	sshll.u32 s5, $0x7  }
0x8: {  	s19 =	simm.s32 $0x0;
	_ =	strace $0x80000047;
	s6 =	sor.u32 s7, s6  }
0x9: {  	s5 =	ssub.s32 $0x2, s5;
	s7 =	sshll.u32 s6, $0x5;
	s6 =	sshll.u32 s6, $0x4  }
0xa: {  	s31 =	sshrl.u32 s5, $0x1;
	s7 =	sadd.s32 s7, s4;
	s6 =	sadd.s32 s6, s4  }
0xb: {  	s8 =	ssub.s32 s5, s31;
	s4 =	sadd.s32 $0x1600, s7;
	s5 =	sadd.s32 $0x21600, s6  }
0xc: {  	s6 =	smax.u32 s8, $0x1;
	s7 =	simm.s32 $0x2;
	s8 =	simm.s32 $0x80  }
.LBB2_1:
0xd: {  	[tilespmem:s3], [sflag:$0x2] =	stream.linear.gather [hbm4b:s4+s3], $0x8000, $0x38;
	[tilespmem:$0x12400] =	vst v63  }
0xe: {  	_ =	swait.ge [sflag:s7], $0x8000  }
0xf: {  	[sflag:s7] =	ssyncset.done $0x0  }
0x10: {  	s15 =	simm.s32 $0x0;
	[sflag:s7] =	ssyncadd.s32 $0xFFFF8000  }
.LBB2_2:
0x11: {  	s17 =	sshll.u32 s15, $0x8;
	s16 =	sshll.u32 s15, $0x7  }
0x12: {  	s17 =	sand.u32 $0x7800, s17;
	s18 =	sand.u32 $0x380, s16  }
0x13: {  	s17 =	sor.u32 s18, s17  }
0x14: {  	[tilespmem:s9], [sflag:$0x1] =	stream.indirect.gather [hbm4b:s2+s8], $0x80, s17, s8, $0xb8;
	[tilespmem:$0x12400] =	vst v63  }
0x15: {  	s17 =	sor.u32 $0x400, s17  }
0x16: {  	[tilespmem:s11], [sflag:$0x1] =	stream.indirect.gather [hbm4b:s2+s10], $0x80, s17, s10, $0xb8;
	[tilespmem:$0x12400] =	vst v63  }
0x17: {  	_ =	swait.ge [sflag:s12], $0x4000  }
0x18: {  	[sflag:s12] =	ssyncset.done $0x0  }
0x19: {  	[sflag:s12] =	ssyncadd.s32 $0xFFFFC000  }
0x1a: {  	_ =	swait.ge [sflag:s12], $0x2400  }
0x1b: {  	[sflag:s12] =	ssyncset.done $0x0  }
0x1c: {  	[sflag:s12] =	ssyncadd.s32 $0xFFFFDC00  }
0x1d: {  	v0 =	vld [tilespmem:s19+$0x8070]  }
0x1e: {  	v2 =	vld [tilespmem:s19+$0x8000]  }
0x1f: {  	v3 =	vld [tilespmem:s19+$0x8010]  }
0x20: {  	v11 =	vld [tilespmem:s19+$0x8020]  }
0x21: {  	v10 =	vld [tilespmem:s19+$0x8030]  }
0x22: {  	v1 =	vimm.f32 $0.0e+00;
	v6 =	vimm.f32 $0.0e+00;
	v7 =	vld [tilespmem:s19+$0x8040]  }
0x23: {  	v8 =	vimm.f32 $0.0e+00;
	v4 =	vimm.f32 $0.0e+00;
	v9 =	vld [tilespmem:s19+$0x8050];
	v0 =	vadd.f32 v0, v1  }
0x24: {  	s18 =	simm.s32 $0x400;
	s17 =	simm.s32 $0x80;
	v12 =	vld [tilespmem:s19+$0x8060];
	v5 =	vadd.f32 v2, v1;
	v3 =	vadd.f32 v3, v1;
	v2 =	vimm.f32 $0.0e+00  }
.LBB2_3:
0x25: {  	p0 =	sne.s32 s18, $0x18E00;
	v13 =	vld [tilespmem:s17+$0x8070];
	v1 =	vadd.f32 v11, v1  }
0x26: {  	v14 =	vld [tilespmem:s17+$0x8000];
	v6 =	vadd.f32 v10, v6  }
0x27: {  	v15 =	vld [tilespmem:s17+$0x8010];
	v8 =	vadd.f32 v7, v8  }
.Ltmp0:
0x28: {  	v11 =	vld [tilespmem:s17+$0x8020];
	v4 =	vadd.f32 v9, v4;
	(pc) =	sbr.rel @p0 .LBB2_3-.Ltmp0, $4  }
0x29: {  	v10 =	vld [tilespmem:s17+$0x8030];
	v2 =	vadd.f32 v12, v2  }
0x2a: {  	v7 =	vld [tilespmem:s17+$0x8040];
	v0 =	vadd.f32 v13, v0  }
0x2b: {  	v5 =	vadd.f32 v14, v5;
	v9 =	vld [tilespmem:s17+$0x8050]  }
0x2c: {  	v3 =	vadd.f32 v15, v3;
	v12 =	vld [tilespmem:s17+$0x8060];
	s17 =	sshra.s32 s18, $0x2;
	s18 =	sadd.s32 $0x200, s18  }
0x2d: {  	v14 =	vld [tilespmem:s17+$0x8000]  }
0x2e: {  	v15 =	vld [tilespmem:s17+$0x8010]  }
0x2f: {  	v16 =	vld [tilespmem:s17+$0x8020]  }
0x30: {  	v17 =	vld [tilespmem:s17+$0x8030]  }
0x31: {  	v18 =	vld [tilespmem:s17+$0x8040]  }
0x32: {  	v1 =	vadd.f32 v11, v1;
	v59 =	vld [tilespmem:s17+$0x8050];
	v5 =	vadd.f32 v14, v5  }
0x33: {  	v13 =	vld [tilespmem:s17+$0x8070];
	v6 =	vadd.f32 v10, v6;
	v3 =	vadd.f32 v15, v3  }
0x34: {  	v60 =	vld [tilespmem:s17+$0x8060];
	v7 =	vadd.f32 v7, v8;
	v1 =	vadd.f32 v16, v1;
	[tilespmem:s16+$0xE400] =	vst v5  }
0x35: {  	s15 =	sadd.s32 $0x1, s15;
	v4 =	vadd.f32 v9, v4;
	v61 =	vadd.f32 v17, v6;
	[tilespmem:s16+$0xE410] =	vst v3  }
0x36: {  	p0 =	sne.s32 s15, $0x80;
	v62 =	vadd.f32 v18, v7;
	[tilespmem:s16+$0xE420] =	vst v1  }
.Ltmp1:
0x37: {  	v2 =	vadd.f32 v12, v2;
	v63 =	vadd.f32 v59, v4;
	[tilespmem:s16+$0xE430] =	vst v61;
	(pc) =	sbr.rel @p0 .LBB2_2-.Ltmp1, $4  }
0x38: {  	v0 =	vadd.f32 v13, v0;
	[tilespmem:s16+$0xE440] =	vst v62  }
0x39: {  	v2 =	vadd.f32 v60, v2;
	[tilespmem:s16+$0xE450] =	vst v63  }
0x3a: {  	[tilespmem:s16+$0xE470] =	vst v0  }
0x3b: {  	[tilespmem:s16+$0xE460] =	vst v2  }
0x3c: {  	s14 =	sadd.s32 $0x1, s14  }
0x3d: {  	p0 =	sne.s32 s14, s6  }
.Ltmp2:
0x3e: {  	_ = 	snop;
	(pc) =	sbr.rel @p0 .LBB2_1-.Ltmp2, $4  }
0x3f: {  	[hbm4b:s5+s3] =	stream.linear.scatter [tilespmem:s13], [sflag:$0x2], $0x4000, $0x38;
	[tilespmem:$0x12400] =	vst v63  }
0x40: {  	_ =	swait.ge [sflag:s7], $0x4000  }
0x41: {  	[sflag:s7] =	ssyncset.done $0x0  }
0x42: {  	[sflag:s7] =	ssyncadd.s32 $0xFFFFC000  }
0x43: {  	_ =	sfence.sel $0x180000  }
0x44: {  	[bflag:$0x0] =	sbarrier.arrive $0xFFFF  }
0x45: {  	p0 =	sne.s32 s1, $0x0;
	_ =	strace $0x90000047  }
0x46: {  	s0 =	sadd.s32 @!p0 $0x100000, s0;
	[bflag:$0x2] =	sbarrier.arrive $0xFFFF  }
0x47: {  	[sflag:s0] =	ssyncadd.tile.s32 @!p0 $0x1;
	_ =	shalt  }
.Lfunc_end2:
_tile_overlayer_lowered:
.L_overlay_start_2:
0x48: {  	(tag) =	ssettag $0x2  }
0x49: {  	s0 =	rddreg [dreg:$0x0];
	s2 =	stileid.u32  }
0x4a: {  	s1 =	rddreg [dreg:$0x1];
	p0 =	sne.s32 s2, $0x0  }
0x4b: {  	s3 =	rddreg [dreg:$0x2];
	[bflag:$0x3] =	sbarrier.arrive $0xFFFF;
	s2 =	simm.s32 @!p0 $0x1C02  }
0x4c: {  	[timem:s3], [sflag:s2] =	dma.local @!p0 [hbm:s0], s1  }
0x4d: {  	s0 =	simm.s32 @!p0 $0x2  }
0x4e: {  	_ =	swait.ge @!p0 [sflag:s0], s1  }
0x4f: {  	s1 =	ssub.s32 @!p0 $0x0, s1;
	[sflag:s0] =	ssyncset.done @!p0 $0x0  }
0x50: {  	[sflag:s0] =	ssyncadd.s32 @!p0 s1  }
0x51: {  	[bflag:$0x3] =	sbarrier.arrive $0xFFFF  }
0x52: {  	_ =	shalt  }

</sc_bundles>
